<compile_context>
chip_gen: v7x
topology: tpu7x:2x2x1
jax: 0.10.2.dev20260603
libtpu: 0.0.44.dev20260713+nightly
codegen_flags: <defaults>
</compile_context>

<pallas_src>
import functools

import jax
import jax.numpy as jnp
from jax import lax
from jax.experimental import pallas as pl
from jax.experimental.pallas import tpu as pltpu
from jax.experimental.pallas import tpu_sc as plsc

N_NODES = 10000
OUT_DIM = 128
CHUNK = 128


def _sc_partials(n_tiles, chunks_per_tile, acc_rows, zero_rows):
    mesh = plsc.VectorSubcoreMesh(core_axis_name="c", subcore_axis_name="s")
    nc, ns = mesh.num_cores, mesh.num_subcores
    rows_per_tile_out = acc_rows // ns

    @functools.partial(
        pl.kernel,
        out_type=jax.ShapeDtypeStruct((nc, acc_rows, OUT_DIM), jnp.float32),
        mesh=mesh,
        scratch_types=[
            pltpu.VMEM_SHARED((acc_rows, OUT_DIM), jnp.float32),
            pltpu.VMEM((chunks_per_tile, CHUNK), jnp.int32),
            pltpu.VMEM((chunks_per_tile, CHUNK), jnp.int32),
            pltpu.VMEM((CHUNK, OUT_DIM), jnp.float32),
            pltpu.VMEM((CHUNK, OUT_DIM), jnp.float32),
            pltpu.SemaphoreType.DMA,
            pltpu.SemaphoreType.DMA,
            pltpu.SemaphoreType.DMA,
        ],
    )
    def k(src_hbm, dst_hbm, w_hbm, zeros_hbm, p_hbm,
          acc, src_all, dst_all, rows0, rows1, sem0, sem1, semz):
        c = lax.axis_index("c")
        s = lax.axis_index("s")
        g = c * ns + s

        z = pltpu.async_copy(
            zeros_hbm, acc.at[pl.ds(s * zero_rows, zero_rows)], semz)
        pltpu.sync_copy(
            src_hbm.at[pl.ds(g * chunks_per_tile, chunks_per_tile)], src_all)
        pltpu.sync_copy(
            dst_hbm.at[pl.ds(g * chunks_per_tile, chunks_per_tile)], dst_all)
        z.wait()
        plsc.subcore_barrier()

        def body(j, _):
            g0 = pltpu.async_copy(w_hbm.at[src_all.at[2 * j]], rows0, sem0)
            g1 = pltpu.async_copy(w_hbm.at[src_all.at[2 * j + 1]], rows1, sem1)
            g0.wait()
            g1.wait()
            pltpu.sync_copy(rows0, acc.at[dst_all.at[2 * j]], add=True)
            pltpu.sync_copy(rows1, acc.at[dst_all.at[2 * j + 1]], add=True)
            return 0

        lax.fori_loop(0, chunks_per_tile // 2, body, 0)
        plsc.subcore_barrier()

        r0 = s * rows_per_tile_out
        pltpu.sync_copy(acc.at[pl.ds(r0, rows_per_tile_out)],
                        p_hbm.at[c, pl.ds(r0, rows_per_tile_out)])

    return k, nc


def _combine_body(p_ref, b_ref, o_ref):
    o_ref[...] = jnp.sum(p_ref[...], axis=0) + b_ref[...]


def kernel(x, edge_index, W, b):
    del x
    src = edge_index[0].astype(jnp.int32)
    dst = edge_index[1].astype(jnp.int32)

    n_tiles = 32
    ns = 16
    zero_rows = 640
    acc_rows = ns * zero_rows

    e = src.shape[0]
    e_pad = ((e + n_tiles * CHUNK - 1) // (n_tiles * CHUNK)) * (n_tiles * CHUNK)
    pad = e_pad - e
    pad_dst = N_NODES + jnp.arange(pad, dtype=jnp.int32) % (acc_rows - N_NODES)
    src = jnp.concatenate([src, jnp.zeros((pad,), jnp.int32)])
    dst = jnp.concatenate([dst, pad_dst])
    total_chunks = e_pad // CHUNK
    src = src.reshape(total_chunks, CHUNK)
    dst = dst.reshape(total_chunks, CHUNK)

    zeros = jnp.zeros((zero_rows, OUT_DIM), jnp.float32)

    chunks_per_tile = total_chunks // n_tiles
    sc_kernel, nc = _sc_partials(n_tiles, chunks_per_tile, acc_rows, zero_rows)
    partials = sc_kernel(src, dst, W, zeros)

    rows_blk = 1000
    out = pl.pallas_call(
        _combine_body,
        grid=(N_NODES // rows_blk,),
        in_specs=[
            pl.BlockSpec((nc, rows_blk, OUT_DIM), lambda i: (0, i, 0)),
            pl.BlockSpec((OUT_DIM,), lambda i: (0,)),
        ],
        out_specs=pl.BlockSpec((rows_blk, OUT_DIM), lambda i: (i, 0)),
        out_shape=jax.ShapeDtypeStruct((N_NODES, OUT_DIM), jnp.float32),
    )(partials, b)
    return out

# --- scband reference (transcript-rebuilt; emitter-appended) ---
"""Pipeline reference for scband-gnn-3745211482643 (READ-ONLY COPY).

The authoritative reference and input builder live on the scoring server;
editing this copy changes nothing except your own understanding.
"""

import jax, jax.numpy as jnp
import numpy as np

N_NODES = 10000
N_EDGES = 160000
OUT_DIM = 128

def setup_inputs(seed: int = 0) -> dict:
    key = jax.random.key(seed)
    k1, k2 = jax.random.split(key)
    # The torch module builds x = torch.eye(num_nodes) as one-hot node features.
    x = jnp.eye(N_NODES, dtype=jnp.float32)
    # edge_index: [2, E] with values in [0, N)
    edge_index = jax.random.randint(k1, (2, N_EDGES), 0, N_NODES, dtype=jnp.int64)
    # self.conv is an (undefined in snippet) graph convolution; modeled as
    # GraphConv-style: linear transform then sum-aggregate over incoming edges.
    W = jax.random.normal(k2, (N_NODES, OUT_DIM), dtype=jnp.float32) * 0.02
    b = jnp.zeros((OUT_DIM,), dtype=jnp.float32)
    return {"x": x, "edge_index": edge_index, "W": W, "b": b}

def reference(x, edge_index, W, b):
    # conv(x, edges): h = x @ W (dense transform of one-hot features),
    # then scatter-add messages from src to dst (sum aggregation).
    h = x @ W  # [N, OUT_DIM]
    src = edge_index[0]
    dst = edge_index[1]
    msgs = jnp.take(h, src, axis=0)  # gather [E, OUT_DIM]
    agg = jax.ops.segment_sum(msgs, dst, num_segments=x.shape[0])  # scatter-add
    out = agg + b
    # nn.Dropout in eval mode is identity; reference is deterministic.
    return out

if __name__ == "__main__":
    import jax
    _d = setup_inputs()
    print(jax.jit(kernel)(*tuple(_d.values())))

</pallas_src>

<mosaic_0001>
#map = affine_map<(d0, d1) -> (0, 0)>
#map1 = affine_map<(d0, d1) -> (0, 0, 0)>
module attributes {stable_mosaic.version = 14 : i64} {
  func.func @k(%arg0: i32, %arg1: i32, %arg2: memref<1280x128xi32, #tpu.memory_space<hbm>>, %arg3: memref<1280x128xi32, #tpu.memory_space<hbm>>, %arg4: memref<10000x128xf32, #tpu.memory_space<hbm>>, %arg5: memref<640x128xf32, #tpu.memory_space<hbm>>, %arg6: memref<2x10240x128xf32, #tpu.memory_space<hbm>>, %arg7: memref<10240x128xf32, #tpu.memory_space<vmem_shared>>, %arg8: memref<40x128xi32, #tpu.memory_space<vmem>>, %arg9: memref<40x128xi32, #tpu.memory_space<vmem>>, %arg10: memref<128x128xf32, #tpu.memory_space<vmem>>, %arg11: memref<128x128xf32, #tpu.memory_space<vmem>>, %arg12: memref<!tpu.dma_semaphore, #tpu.memory_space<semaphore_mem>>, %arg13: memref<!tpu.dma_semaphore, #tpu.memory_space<semaphore_mem>>, %arg14: memref<!tpu.dma_semaphore, #tpu.memory_space<semaphore_mem>>) attributes {dimension_semantics = [#tpu.dimension_semantics<core_parallel>, #tpu.dimension_semantics<subcore_parallel>], iteration_bounds = array<i64: 2, 16>, scalar_prefetch = 0 : i64, scratch_operands = 8 : i64, tpu.core_type = #tpu.core_type<sc_vector_subcore>, window_params = [{transform_indices = #map}, {transform_indices = #map}, {transform_indices = #map}, {transform_indices = #map}, {transform_indices = #map1}]} {
    %mul3A = arith.constant 16 : i32
    %mul3A_0 = arith.muli %arg0, %mul3A : i32
    %add3A = arith.addi %mul3A_0, %arg1 : i32
    %mul3A_1 = arith.constant 640 : i32
    %mul3A_2 = arith.muli %arg1, %mul3A_1 : i32
    %dma_start3A = arith.constant 0 : i32
    %dma_start3A_3 = tpu.memref_slice %arg7[%mul3A_2, %dma_start3A] : memref<10240x128xf32, #tpu.memory_space<vmem_shared>> -> memref<640x128xf32, #tpu.memory_space<vmem_shared>>
    tpu.enqueue_dma source(%arg5 : memref<640x128xf32, #tpu.memory_space<hbm>>) target(%dma_start3A_3 : memref<640x128xf32, #tpu.memory_space<vmem_shared>>) target_semaphore(%arg14 : memref<!tpu.dma_semaphore, #tpu.memory_space<semaphore_mem>>)
    %mul3A_4 = arith.constant 40 : i32
    %mul3A_5 = arith.muli %add3A, %mul3A_4 : i32
    "tpu.region"() ({
      %run_scoped3A = tpu.sem_alloc : memref<!tpu.dma_semaphore, #tpu.memory_space<semaphore_mem>>
      %dma_start3A_18 = arith.constant 0 : i32
      %dma_start3A_19 = tpu.memref_slice %arg2[%mul3A_5, %dma_start3A_18] : memref<1280x128xi32, #tpu.memory_space<hbm>> -> memref<40x128xi32, #tpu.memory_space<hbm>>
      %dma_start3A_20 = arith.constant 0 : i32
      %dma_start3A_21 = tpu.memref_slice %arg2[%mul3A_5, %dma_start3A_20] : memref<1280x128xi32, #tpu.memory_space<hbm>> -> memref<40x128xi32, #tpu.memory_space<hbm>>
      tpu.enqueue_dma source(%dma_start3A_21 : memref<40x128xi32, #tpu.memory_space<hbm>>) target(%arg8 : memref<40x128xi32, #tpu.memory_space<vmem>>) target_semaphore(%run_scoped3A : memref<!tpu.dma_semaphore, #tpu.memory_space<semaphore_mem>>)
      %dma_wait3A_22 = arith.constant 0 : i32
      %dma_wait3A_23 = tpu.memref_slice %arg2[%mul3A_5, %dma_wait3A_22] : memref<1280x128xi32, #tpu.memory_space<hbm>> -> memref<40x128xi32, #tpu.memory_space<hbm>>
      %dma_wait3A_24 = arith.constant 0 : i32
      %dma_wait3A_25 = tpu.memref_slice %arg2[%mul3A_5, %dma_wait3A_24] : memref<1280x128xi32, #tpu.memory_space<hbm>> -> memref<40x128xi32, #tpu.memory_space<hbm>>
      tpu.wait_dma2 semaphore(%run_scoped3A : memref<!tpu.dma_semaphore, #tpu.memory_space<semaphore_mem>>) src(%dma_wait3A_25 : memref<40x128xi32, #tpu.memory_space<hbm>>) dst(%arg8 : memref<40x128xi32, #tpu.memory_space<vmem>>)
      tpu.yield
    }) : () -> ()
    %mul3A_6 = arith.constant 40 : i32
    %mul3A_7 = arith.muli %add3A, %mul3A_6 : i32
    "tpu.region"() ({
      %run_scoped3A = tpu.sem_alloc : memref<!tpu.dma_semaphore, #tpu.memory_space<semaphore_mem>>
      %dma_start3A_18 = arith.constant 0 : i32
      %dma_start3A_19 = tpu.memref_slice %arg3[%mul3A_7, %dma_start3A_18] : memref<1280x128xi32, #tpu.memory_space<hbm>> -> memref<40x128xi32, #tpu.memory_space<hbm>>
      %dma_start3A_20 = arith.constant 0 : i32
      %dma_start3A_21 = tpu.memref_slice %arg3[%mul3A_7, %dma_start3A_20] : memref<1280x128xi32, #tpu.memory_space<hbm>> -> memref<40x128xi32, #tpu.memory_space<hbm>>
      tpu.enqueue_dma source(%dma_start3A_21 : memref<40x128xi32, #tpu.memory_space<hbm>>) target(%arg9 : memref<40x128xi32, #tpu.memory_space<vmem>>) target_semaphore(%run_scoped3A : memref<!tpu.dma_semaphore, #tpu.memory_space<semaphore_mem>>)
      %dma_wait3A_22 = arith.constant 0 : i32
      %dma_wait3A_23 = tpu.memref_slice %arg3[%mul3A_7, %dma_wait3A_22] : memref<1280x128xi32, #tpu.memory_space<hbm>> -> memref<40x128xi32, #tpu.memory_space<hbm>>
      %dma_wait3A_24 = arith.constant 0 : i32
      %dma_wait3A_25 = tpu.memref_slice %arg3[%mul3A_7, %dma_wait3A_24] : memref<1280x128xi32, #tpu.memory_space<hbm>> -> memref<40x128xi32, #tpu.memory_space<hbm>>
      tpu.wait_dma2 semaphore(%run_scoped3A : memref<!tpu.dma_semaphore, #tpu.memory_space<semaphore_mem>>) src(%dma_wait3A_25 : memref<40x128xi32, #tpu.memory_space<hbm>>) dst(%arg9 : memref<40x128xi32, #tpu.memory_space<vmem>>)
      tpu.yield
    }) : () -> ()
    %dma_wait3A = arith.constant 0 : i32
    %dma_wait3A_8 = tpu.memref_slice %arg7[%mul3A_2, %dma_wait3A] : memref<10240x128xf32, #tpu.memory_space<vmem_shared>> -> memref<640x128xf32, #tpu.memory_space<vmem_shared>>
    tpu.wait_dma2 semaphore(%arg14 : memref<!tpu.dma_semaphore, #tpu.memory_space<semaphore_mem>>) src(%arg5 : memref<640x128xf32, #tpu.memory_space<hbm>>) dst(%dma_wait3A_8 : memref<640x128xf32, #tpu.memory_space<vmem_shared>>)
    %barrier3A = arith.constant 0 : index
    tpu.barrier barrier_id(%barrier3A)
    %scan3A = arith.constant 0 : i32
    %scan3A_9 = arith.constant 0 : i32
    %scan3A_10 = arith.constant 20 : i32
    %scan3A_11 = arith.addi %scan3A_9, %scan3A_10 : i32
    %scan3A_12 = arith.constant 1 : i32
    %scan3A_13 = scf.for %scan3A_18 = %scan3A_9 to %scan3A_11 step %scan3A_12 iter_args(%scan3A_19 = %scan3A) -> (i32)  : i32 {
      %mul3A_20 = arith.constant 2 : i32
      %mul3A_21 = arith.muli %mul3A_20, %scan3A_18 : i32
      %dma_start3A_22 = arith.constant 0 : i32
      %dma_start3A_23 = tpu.memref_slice %arg8[%mul3A_21, %dma_start3A_22] : memref<40x128xi32, #tpu.memory_space<vmem>> -> memref<1x128xi32, #tpu.memory_space<vmem>>
      %dma_start3A_24 = tpu.memref_squeeze %dma_start3A_23 : memref<1x128xi32, #tpu.memory_space<vmem>> -> memref<128xi32, #tpu.memory_space<vmem>>
      %dma_start3A_25 = arith.constant 0 : i32
      %dma_start3A_26 = arith.constant 0 : i32
      %dma_start3A_27 = tpu.memref_slice %arg4[%dma_start3A_25, %dma_start3A_26] : memref<10000x128xf32, #tpu.memory_space<hbm>> -> memref<10000x128xf32, #tpu.memory_space<hbm>>
      tpu.enqueue_indirect_dma source(%dma_start3A_27 : memref<10000x128xf32, #tpu.memory_space<hbm>>) target(%arg10 : memref<128x128xf32, #tpu.memory_space<vmem>>) offsets(%dma_start3A_24 : memref<128xi32, #tpu.memory_space<vmem>>) semaphore(%arg12 : memref<!tpu.dma_semaphore, #tpu.memory_space<semaphore_mem>>)
      %mul3A_28 = arith.constant 2 : i32
      %mul3A_29 = arith.muli %mul3A_28, %scan3A_18 : i32
      %add3A_30 = arith.constant 1 : i32
      %add3A_31 = arith.addi %mul3A_29, %add3A_30 : i32
      %dma_start3A_32 = arith.constant 0 : i32
      %dma_start3A_33 = tpu.memref_slice %arg8[%add3A_31, %dma_start3A_32] : memref<40x128xi32, #tpu.memory_space<vmem>> -> memref<1x128xi32, #tpu.memory_space<vmem>>
      %dma_start3A_34 = tpu.memref_squeeze %dma_start3A_33 : memref<1x128xi32, #tpu.memory_space<vmem>> -> memref<128xi32, #tpu.memory_space<vmem>>
      %dma_start3A_35 = arith.constant 0 : i32
      %dma_start3A_36 = arith.constant 0 : i32
      %dma_start3A_37 = tpu.memref_slice %arg4[%dma_start3A_35, %dma_start3A_36] : memref<10000x128xf32, #tpu.memory_space<hbm>> -> memref<10000x128xf32, #tpu.memory_space<hbm>>
      tpu.enqueue_indirect_dma source(%dma_start3A_37 : memref<10000x128xf32, #tpu.memory_space<hbm>>) target(%arg11 : memref<128x128xf32, #tpu.memory_space<vmem>>) offsets(%dma_start3A_34 : memref<128xi32, #tpu.memory_space<vmem>>) semaphore(%arg13 : memref<!tpu.dma_semaphore, #tpu.memory_space<semaphore_mem>>)
      %dma_wait3A_38 = arith.constant 0 : i32
      %dma_wait3A_39 = tpu.memref_slice %arg8[%mul3A_21, %dma_wait3A_38] : memref<40x128xi32, #tpu.memory_space<vmem>> -> memref<1x128xi32, #tpu.memory_space<vmem>>
      %dma_wait3A_40 = tpu.memref_squeeze %dma_wait3A_39 : memref<1x128xi32, #tpu.memory_space<vmem>> -> memref<128xi32, #tpu.memory_space<vmem>>
      %dma_wait3A_41 = arith.constant 0 : i32
      %dma_wait3A_42 = arith.constant 0 : i32
      %dma_wait3A_43 = tpu.memref_slice %arg4[%dma_wait3A_41, %dma_wait3A_42] : memref<10000x128xf32, #tpu.memory_space<hbm>> -> memref<10000x128xf32, #tpu.memory_space<hbm>>
      tpu.wait_indirect_dma semaphore(%arg12 : memref<!tpu.dma_semaphore, #tpu.memory_space<semaphore_mem>>) src(%dma_wait3A_43 : memref<10000x128xf32, #tpu.memory_space<hbm>>) dst(%arg10 : memref<128x128xf32, #tpu.memory_space<vmem>>)
      %dma_wait3A_44 = arith.constant 0 : i32
      %dma_wait3A_45 = tpu.memref_slice %arg8[%add3A_31, %dma_wait3A_44] : memref<40x128xi32, #tpu.memory_space<vmem>> -> memref<1x128xi32, #tpu.memory_space<vmem>>
      %dma_wait3A_46 = tpu.memref_squeeze %dma_wait3A_45 : memref<1x128xi32, #tpu.memory_space<vmem>> -> memref<128xi32, #tpu.memory_space<vmem>>
      %dma_wait3A_47 = arith.constant 0 : i32
      %dma_wait3A_48 = arith.constant 0 : i32
      %dma_wait3A_49 = tpu.memref_slice %arg4[%dma_wait3A_47, %dma_wait3A_48] : memref<10000x128xf32, #tpu.memory_space<hbm>> -> memref<10000x128xf32, #tpu.memory_space<hbm>>
      tpu.wait_indirect_dma semaphore(%arg13 : memref<!tpu.dma_semaphore, #tpu.memory_space<semaphore_mem>>) src(%dma_wait3A_49 : memref<10000x128xf32, #tpu.memory_space<hbm>>) dst(%arg11 : memref<128x128xf32, #tpu.memory_space<vmem>>)
      %mul3A_50 = arith.constant 2 : i32
      %mul3A_51 = arith.muli %mul3A_50, %scan3A_18 : i32
      "tpu.region"() ({
        %run_scoped3A = tpu.sem_alloc : memref<!tpu.dma_semaphore, #tpu.memory_space<semaphore_mem>>
        %dma_start3A_57 = arith.constant 0 : i32
        %dma_start3A_58 = tpu.memref_slice %arg9[%mul3A_51, %dma_start3A_57] : memref<40x128xi32, #tpu.memory_space<vmem>> -> memref<1x128xi32, #tpu.memory_space<vmem>>
        %dma_start3A_59 = tpu.memref_squeeze %dma_start3A_58 : memref<1x128xi32, #tpu.memory_space<vmem>> -> memref<128xi32, #tpu.memory_space<vmem>>
        %dma_start3A_60 = arith.constant 0 : i32
        %dma_start3A_61 = arith.constant 0 : i32
        %dma_start3A_62 = tpu.memref_slice %arg7[%dma_start3A_60, %dma_start3A_61] : memref<10240x128xf32, #tpu.memory_space<vmem_shared>> -> memref<10240x128xf32, #tpu.memory_space<vmem_shared>>
        tpu.enqueue_indirect_dma source(%arg10 : memref<128x128xf32, #tpu.memory_space<vmem>>) target(%dma_start3A_62 : memref<10240x128xf32, #tpu.memory_space<vmem_shared>>) offsets(%dma_start3A_59 : memref<128xi32, #tpu.memory_space<vmem>>) semaphore(%run_scoped3A : memref<!tpu.dma_semaphore, #tpu.memory_space<semaphore_mem>>) {add = true}
        %dma_wait3A_63 = arith.constant 0 : i32
        %dma_wait3A_64 = tpu.memref_slice %arg9[%mul3A_51, %dma_wait3A_63] : memref<40x128xi32, #tpu.memory_space<vmem>> -> memref<1x128xi32, #tpu.memory_space<vmem>>
        %dma_wait3A_65 = tpu.memref_squeeze %dma_wait3A_64 : memref<1x128xi32, #tpu.memory_space<vmem>> -> memref<128xi32, #tpu.memory_space<vmem>>
        %dma_wait3A_66 = arith.constant 0 : i32
        %dma_wait3A_67 = arith.constant 0 : i32
        %dma_wait3A_68 = tpu.memref_slice %arg7[%dma_wait3A_66, %dma_wait3A_67] : memref<10240x128xf32, #tpu.memory_space<vmem_shared>> -> memref<10240x128xf32, #tpu.memory_space<vmem_shared>>
        tpu.wait_indirect_dma semaphore(%run_scoped3A : memref<!tpu.dma_semaphore, #tpu.memory_space<semaphore_mem>>) src(%arg10 : memref<128x128xf32, #tpu.memory_space<vmem>>) dst(%dma_wait3A_68 : memref<10240x128xf32, #tpu.memory_space<vmem_shared>>)
        tpu.yield
      }) : () -> ()
      %mul3A_52 = arith.constant 2 : i32
      %mul3A_53 = arith.muli %mul3A_52, %scan3A_18 : i32
      %add3A_54 = arith.constant 1 : i32
      %add3A_55 = arith.addi %mul3A_53, %add3A_54 : i32
      "tpu.region"() ({
        %run_scoped3A = tpu.sem_alloc : memref<!tpu.dma_semaphore, #tpu.memory_space<semaphore_mem>>
        %dma_start3A_57 = arith.constant 0 : i32
        %dma_start3A_58 = tpu.memref_slice %arg9[%add3A_55, %dma_start3A_57] : memref<40x128xi32, #tpu.memory_space<vmem>> -> memref<1x128xi32, #tpu.memory_space<vmem>>
        %dma_start3A_59 = tpu.memref_squeeze %dma_start3A_58 : memref<1x128xi32, #tpu.memory_space<vmem>> -> memref<128xi32, #tpu.memory_space<vmem>>
        %dma_start3A_60 = arith.constant 0 : i32
        %dma_start3A_61 = arith.constant 0 : i32
        %dma_start3A_62 = tpu.memref_slice %arg7[%dma_start3A_60, %dma_start3A_61] : memref<10240x128xf32, #tpu.memory_space<vmem_shared>> -> memref<10240x128xf32, #tpu.memory_space<vmem_shared>>
        tpu.enqueue_indirect_dma source(%arg11 : memref<128x128xf32, #tpu.memory_space<vmem>>) target(%dma_start3A_62 : memref<10240x128xf32, #tpu.memory_space<vmem_shared>>) offsets(%dma_start3A_59 : memref<128xi32, #tpu.memory_space<vmem>>) semaphore(%run_scoped3A : memref<!tpu.dma_semaphore, #tpu.memory_space<semaphore_mem>>) {add = true}
        %dma_wait3A_63 = arith.constant 0 : i32
        %dma_wait3A_64 = tpu.memref_slice %arg9[%add3A_55, %dma_wait3A_63] : memref<40x128xi32, #tpu.memory_space<vmem>> -> memref<1x128xi32, #tpu.memory_space<vmem>>
        %dma_wait3A_65 = tpu.memref_squeeze %dma_wait3A_64 : memref<1x128xi32, #tpu.memory_space<vmem>> -> memref<128xi32, #tpu.memory_space<vmem>>
        %dma_wait3A_66 = arith.constant 0 : i32
        %dma_wait3A_67 = arith.constant 0 : i32
        %dma_wait3A_68 = tpu.memref_slice %arg7[%dma_wait3A_66, %dma_wait3A_67] : memref<10240x128xf32, #tpu.memory_space<vmem_shared>> -> memref<10240x128xf32, #tpu.memory_space<vmem_shared>>
        tpu.wait_indirect_dma semaphore(%run_scoped3A : memref<!tpu.dma_semaphore, #tpu.memory_space<semaphore_mem>>) src(%arg11 : memref<128x128xf32, #tpu.memory_space<vmem>>) dst(%dma_wait3A_68 : memref<10240x128xf32, #tpu.memory_space<vmem_shared>>)
        tpu.yield
      }) : () -> ()
      %scan3A_56 = arith.constant 0 : i32
      scf.yield %scan3A_56 : i32
    }
    %scan3A_14 = arith.constant 20 : i32
    %barrier3A_15 = arith.constant 0 : index
    tpu.barrier barrier_id(%barrier3A_15)
    %mul3A_16 = arith.constant 640 : i32
    %mul3A_17 = arith.muli %arg1, %mul3A_16 : i32
    "tpu.region"() ({
      %run_scoped3A = tpu.sem_alloc : memref<!tpu.dma_semaphore, #tpu.memory_space<semaphore_mem>>
      %dma_start3A_18 = arith.constant 0 : i32
      %dma_start3A_19 = tpu.memref_slice %arg6[%arg0, %mul3A_17, %dma_start3A_18] : memref<2x10240x128xf32, #tpu.memory_space<hbm>> -> memref<1x640x128xf32, #tpu.memory_space<hbm>>
      %dma_start3A_20 = tpu.memref_squeeze %dma_start3A_19 : memref<1x640x128xf32, #tpu.memory_space<hbm>> -> memref<640x128xf32, #tpu.memory_space<hbm>>
      %dma_start3A_21 = arith.constant 0 : i32
      %dma_start3A_22 = tpu.memref_slice %arg7[%mul3A_17, %dma_start3A_21] : memref<10240x128xf32, #tpu.memory_space<vmem_shared>> -> memref<640x128xf32, #tpu.memory_space<vmem_shared>>
      tpu.enqueue_dma source(%dma_start3A_22 : memref<640x128xf32, #tpu.memory_space<vmem_shared>>) target(%dma_start3A_20 : memref<640x128xf32, #tpu.memory_space<hbm>>) target_semaphore(%run_scoped3A : memref<!tpu.dma_semaphore, #tpu.memory_space<semaphore_mem>>)
      %dma_wait3A_23 = arith.constant 0 : i32
      %dma_wait3A_24 = tpu.memref_slice %arg6[%arg0, %mul3A_17, %dma_wait3A_23] : memref<2x10240x128xf32, #tpu.memory_space<hbm>> -> memref<1x640x128xf32, #tpu.memory_space<hbm>>
      %dma_wait3A_25 = tpu.memref_squeeze %dma_wait3A_24 : memref<1x640x128xf32, #tpu.memory_space<hbm>> -> memref<640x128xf32, #tpu.memory_space<hbm>>
      %dma_wait3A_26 = arith.constant 0 : i32
      %dma_wait3A_27 = tpu.memref_slice %arg7[%mul3A_17, %dma_wait3A_26] : memref<10240x128xf32, #tpu.memory_space<vmem_shared>> -> memref<640x128xf32, #tpu.memory_space<vmem_shared>>
      tpu.wait_dma2 semaphore(%run_scoped3A : memref<!tpu.dma_semaphore, #tpu.memory_space<semaphore_mem>>) src(%dma_wait3A_27 : memref<640x128xf32, #tpu.memory_space<vmem_shared>>) dst(%dma_wait3A_25 : memref<640x128xf32, #tpu.memory_space<hbm>>)
      tpu.yield
    }) : () -> ()
    return
  }
}

module attributes {stable_mosaic.version = 14 : i64} {
  func.func @_combine_body(%arg0: i32, %arg1: memref<2x1000x128xf32, #tpu.memory_space<vmem>>, %arg2: memref<128xf32, #tpu.memory_space<vmem>>, %arg3: memref<1000x128xf32, #tpu.memory_space<vmem>>) attributes {dimension_semantics = [#tpu.dimension_semantics<arbitrary>], iteration_bounds = array<i64: 10>, scalar_prefetch = 0 : i64, scratch_operands = 0 : i64, tpu.core_type = #tpu.core_type<tc>, window_params = [{transform_indices = @transform_0, window_bounds = array<i64: 2, 1000, 128>}, {pipeline_mode = #tpu.pipeline_mode<synchronous>, transform_indices = @transform_1, window_bounds = array<i64: 128>}, {transform_indices = @transform_2, window_bounds = array<i64: 1000, 128>}]} {
    %get3A = arith.constant 0 : index
    %get3A_0 = arith.constant 0 : index
    %get3A_1 = arith.constant 0 : index
    %get3A_2 = vector.load %arg1[%get3A, %get3A_0, %get3A_1] : memref<2x1000x128xf32, #tpu.memory_space<vmem>>, vector<2x1000x128xf32>
    %reduce_sum3A = arith.constant dense<0.000000e+00> : vector<1000x128xf32>
    %reduce_sum3A_3 = vector.multi_reduction <add>, %get3A_2, %reduce_sum3A [0] : vector<2x1000x128xf32> to vector<1000x128xf32>
    %get3A_4 = arith.constant 0 : index
    %get3A_5 = vector.load %arg2[%get3A_4] : memref<128xf32, #tpu.memory_space<vmem>>, vector<128xf32>
    %broadcast_in_dim3A = vector.shape_cast %get3A_5 : vector<128xf32> to vector<1x128xf32>
    %add3A = vector.broadcast %broadcast_in_dim3A : vector<1x128xf32> to vector<1000x128xf32>
    %add3A_6 = arith.addf %reduce_sum3A_3, %add3A : vector<1000x128xf32>
    %swap3A = arith.constant 0 : index
    %swap3A_7 = arith.constant 0 : index
    %swap3A_8 = vector.load %arg3[%swap3A, %swap3A_7] : memref<1000x128xf32, #tpu.memory_space<vmem>>, vector<1000x128xf32>
    tpu.vector_store %arg3[%swap3A, %swap3A_7], %add3A_6 {strides = array<i32>} : memref<1000x128xf32, #tpu.memory_space<vmem>>, vector<1000x128xf32>,
    return
  }
  func.func @transform_0(%arg0: i32) -> (i32, i32, i32) {
    %c0_i32 = arith.constant 0 : i32
    %c0_i32_0 = arith.constant 0 : i32
    %c0_i32_1 = arith.constant 0 : i32
    return %c0_i32, %arg0, %c0_i32_0 : i32, i32, i32
  }
  func.func @transform_1(%arg0: i32) -> i32 {
    %c0_i32 = arith.constant 0 : i32
    %c0_i32_0 = arith.constant 0 : i32
    return %c0_i32 : i32
  }
  func.func @transform_2(%arg0: i32) -> (i32, i32) {
    %c0_i32 = arith.constant 0 : i32
    %c0_i32_0 = arith.constant 0 : i32
    return %arg0, %c0_i32 : i32, i32
  }
}

</mosaic_0001>

<sc_bundles>
// kernel: kernel.4.cloned.1.call-start
scs
__scs_entry_jumppad:
0x0: {  	(pc) =	sbr.rel $0x88, $3  }
0x1: {  	(tag) =	ssettag $0x0;
	lr =	simm.s32 $0x1  }
0x2: {  	[smem:$0x3F9E] =	sst lr;
	_ =	strace $0xD0000000  }
0x3: {  	_ = 	snop  }
0x4: {  	_ = 	snop  }
0x5: {  	_ = 	snop  }
0x6: {  	_ = 	snop  }
0x7: {  	_ = 	snop  }
__scs_overlays_trampoline_lowered:
0x8: {  	[smem:$0x3FAD] =	sst s0  }
0x9: {  	[smem:$0x3FAE] =	sst s1  }
0xa: {  	[smem:$0x3FAF] =	sst s2  }
0xb: {  	[smem:$0x3FB0] =	sst s3  }
0xc: {  	[smem:$0x3FB1] =	sst s4  }
0xd: {  	[smem:$0x3FB2] =	sst s5  }
0xe: {  	[smem:$0x3FB3] =	sst s6  }
0xf: {  	[smem:$0x3FB4] =	sst s7  }
0x10: {  	[smem:$0x3FB5] =	sst s8  }
0x11: {  	[smem:$0x3FB6] =	sst s9;
	s0 =	simm.s32 @!p0 $0x0  }
0x12: {  	s1 =	sld [smem:$0x3F9C];
	s0 =	simm.s32 @p0 $0x1  }
0x13: {  	[smem:$0x3FB7] =	sst s0;
	s0 =	simm.s32 @!p1 $0x0  }
0x14: {  	s2 =	sld [smem:$0x3F9B];
	s0 =	simm.s32 @p1 $0x1  }
0x15: {  	[smem:$0x3FB8] =	sst s0;
	s0 =	simm.s32 @!p2 $0x0  }
0x16: {  	s3 =	sld [smem:$0x3FDB];
	s0 =	simm.s32 @p2 $0x1  }
0x17: {  	s4 =	simm.s32 $0x1BF5;
	[smem:$0x3FBA] =	sst s0  }
0x18: {  	s0 =	sld [smem:$0x3F9D];
	_ =	swait.ge [sflag:s4], $0x0  }
0x19: {  	s7 =	sld [smem:$0x3F9E]  }
0x1a: {  	s8 =	sadd.s32 $0xFFFFE003, lr  }
0x1b: {  	s9 =	sadd.s32 $0xFFFFFEF7, lr;
	s5 =	simm.s32 $0xFFFFFFFF;
	p2 =	slt.u32 s8, $0xFFFFF086  }
0x1c: {  	p1 =	slt.u32 s9, $0xF7A;
	s5 =	simm.s32 @!p2 $0x0  }
0x1d: {  	s5 =	simm.s32 @p1 $0x1;
	p0 =	seq.s32 s7, s2  }
0x1e: {  	s7 =	smul.u32 @!p0 $0xF7A, s2;
	p2 =	seq.s32 @!p0 s5, $0x0  }
0x1f: {  	s9 =	smul.u32 $0xF7A, s1;
	s8 =	simm.s32 @!p0 $0x1BF5;
	p2 =	por !p2, p0  }
0x20: {  	[sflag:s8] =	ssyncset.s32 @!p0 $0xFFFFF086;
	s6 =	sadd.s32 @!p0 s3, s7;
	s7 =	simm.s32 @!p0 $0x108  }
0x21: {  	s3 =	sadd.s32 s3, s9;
	s6 =	sadd.s32 @!p0 $0x88, s6;
	s7 =	simm.s32 @p2 $0x1082  }
0x22: {  	[simem:s7], [sflag:s8] =	dma.local @!p0 [hbm:s6], $0xF7A  }
0x23: {  	s9 =	sor.u32 $0xD0000000, s2;
	s6 =	simm.s32 $0x108;
	_ =	swait.ge @!p0 [sflag:s8], $0x0  }
0x24: {  	s3 =	sadd.s32 $0x88, s3;
	s6 =	simm.s32 @!p1 $0x1082;
	[sflag:s4] =	ssyncset.s32 $0xFFFFF086  }
0x25: {  	[simem:s6], [sflag:s4] =	dma.local [hbm:s3], $0xF7A  }
0x26: {  	[smem:$0x3F9E] =	sst s1;
	(tag) =	ssettag s2;
	_ =	strace s9  }
0x27: {  	s1 =	sld [smem:$0x3FAE]  }
0x28: {  	s2 =	sld [smem:$0x3FAF]  }
0x29: {  	s4 =	sld [smem:$0x3FB1]  }
0x2a: {  	p0 =	seq.s32 s5, $0x0;
	s5 =	sld [smem:$0x3FB2]  }
0x2b: {  	s6 =	sld [smem:$0x3FB3]  }
0x2c: {  	s7 =	sld [smem:$0x3FB4]  }
0x2d: {  	s3 =	simm.s32 $0x108;
	s8 =	sld [smem:$0x3FB5]  }
0x2e: {  	s3 =	simm.s32 @!p0 $0x1082;
	s9 =	sld [smem:$0x3FB6]  }
0x2f: {  	lr =	sadd.s32 s0, s3;
	s0 =	sld [smem:$0x3FAD]  }
0x30: {  	s3 =	sld [smem:$0x3FB0]  }
0x31: {  	[smem:$0x3FB9] =	sst s10  }
0x32: {  	s10 =	sld [smem:$0x3FB7];
	_ =	sdelay $0x3  }
0x33: {  	p0 =	seq.s32 s10, $0x1;
	s10 =	sld [smem:$0x3FB9];
	_ =	sdelay $0x3  }
0x34: {  	[smem:$0x3FB9] =	sst s10  }
0x35: {  	s10 =	sld [smem:$0x3FB8];
	_ =	sdelay $0x3  }
0x36: {  	p1 =	seq.s32 s10, $0x1;
	s10 =	sld [smem:$0x3FB9];
	_ =	sdelay $0x3  }
0x37: {  	[smem:$0x3FB9] =	sst s10  }
0x38: {  	s10 =	sld [smem:$0x3FBA]  }
0x39: {  	_ = 	snop;
	(pc) =	sbr.ind lr, $3  }
0x3a: {  	_ = 	snop  }
0x3b: {  	_ = 	snop  }
0x3c: {  	p2 =	seq.s32 s10, $0x1;
	s10 =	sld [smem:$0x3FB9]  }
0x3d: {  	_ =	shalt  }
0x3e: {  	_ =	shalt  }
0x3f: {  	_ =	shalt  }
0x40: {  	_ =	shalt  }
0x41: {  	_ =	shalt  }
0x42: {  	_ =	shalt  }
0x43: {  	_ =	shalt  }
0x44: {  	_ =	shalt  }
0x45: {  	_ =	shalt  }
0x46: {  	_ =	shalt  }
0x47: {  	_ =	shalt  }
0x48: {  	_ =	shalt  }
0x49: {  	_ =	shalt  }
0x4a: {  	_ =	shalt  }
0x4b: {  	_ =	shalt  }
0x4c: {  	_ =	shalt  }
0x4d: {  	_ =	shalt  }
0x4e: {  	_ =	shalt  }
0x4f: {  	_ =	shalt  }
0x50: {  	_ =	shalt  }
0x51: {  	_ =	shalt  }
0x52: {  	_ =	shalt  }
0x53: {  	_ =	shalt  }
0x54: {  	_ =	shalt  }
0x55: {  	_ =	shalt  }
0x56: {  	_ =	shalt  }
0x57: {  	_ =	shalt  }
0x58: {  	_ =	shalt  }
0x59: {  	_ =	shalt  }
0x5a: {  	_ =	shalt  }
0x5b: {  	_ =	shalt  }
0x5c: {  	_ =	shalt  }
0x5d: {  	_ =	shalt  }
0x5e: {  	_ =	shalt  }
0x5f: {  	_ =	shalt  }
0x60: {  	_ =	shalt  }
0x61: {  	_ =	shalt  }
0x62: {  	_ =	shalt  }
0x63: {  	_ =	shalt  }
0x64: {  	_ =	shalt  }
0x65: {  	_ =	shalt  }
0x66: {  	_ =	shalt  }
0x67: {  	_ =	shalt  }
0x68: {  	_ =	shalt  }
0x69: {  	_ =	shalt  }
0x6a: {  	_ =	shalt  }
0x6b: {  	_ =	shalt  }
0x6c: {  	_ =	shalt  }
0x6d: {  	_ =	shalt  }
0x6e: {  	_ =	shalt  }
0x6f: {  	_ =	shalt  }
0x70: {  	_ =	shalt  }
0x71: {  	_ =	shalt  }
0x72: {  	_ =	shalt  }
0x73: {  	_ =	shalt  }
0x74: {  	_ =	shalt  }
0x75: {  	_ =	shalt  }
0x76: {  	_ =	shalt  }
0x77: {  	_ =	shalt  }
0x78: {  	_ =	shalt  }
0x79: {  	_ =	shalt  }
0x7a: {  	_ =	shalt  }
0x7b: {  	_ =	shalt  }
0x7c: {  	_ =	shalt  }
0x7d: {  	_ =	shalt  }
0x7e: {  	_ =	shalt  }
0x7f: {  	_ =	shalt  }
0x80: {  	_ =	shalt  }
0x81: {  	_ =	shalt  }
0x82: {  	_ =	shalt  }
0x83: {  	_ =	shalt  }
0x84: {  	_ =	shalt  }
0x85: {  	_ =	shalt  }
0x86: {  	_ =	shalt  }
0x87: {  	_ =	shalt  }
.Lfunc_end0:
.L_simem_size_0:
called_computation_lowered:
.L_overlay_start_0:
0x88: {  	s2 =	sld [smem:$0x3FD9]  }
0x89: {  	s3 =	sld [smem:$0x3FFE];
	_ =	sdelay $0x1  }
0x8a: {  	s1 =	srdreg.scid  }
0x8b: {  	s0 =	sand.u32 $0x1, s1  }
0x8c: {  	s17 =	sshll.u32 s0, $0xA;
	s2 =	sadd.s32 s3, s2  }
0x8d: {  	s2 =	sadd.s32 s2, s17  }
0x8e: {  	[smem:$0x3FC5] =	sst s2  }
0x8f: {  	_ = 	snop  }
0x90: {  	s2 =	sld [smem:$0x3FC8]  }
0x91: {  	s18 =	sld [smem:$0x3FD0];
	(tm) =	ssettm $0x1  }
0x92: {  	s4 =	sld [smem:$0x3FFB];
	_ =	sdelay $0x3  }
0x93: {  	_ =	strace s4  }
0x94: {  	s4 =	sld [smem:$0x3FFC];
	_ =	sdelay $0x3  }
0x95: {  	_ =	strace s4  }
0x96: {  	s4 =	sld [smem:$0x3FFD];
	_ =	sdelay $0x3  }
0x97: {  	_ =	strace s4  }
0x98: {  	_ =	strace $0x8FFFFFFF  }
0x99: {  	s19 =	sld [smem:$0x3FDB];
	_ =	sdelay $0x1  }
0x9a: {  	s5 =	simm.s32 $_scs_section_size  }
0x9b: {  	s6 =	simm.s32 $_size__tile_overlayer_lowered;
	s7 =	simm.s32 $_tile_overlayer_lowered  }
0x9c: {  	s22 =	simm.s32 $0x1BFF;
	s21 =	sshll.u32 s7, $0x1;
	s4 =	sadd.s32 s5, s19  }
0x9d: {  	s8 =	simm.s32 $0x0;
	s20 =	sshll.u32 s6, $0x1;
	s6 =	sadd.s32 s21, s4  }
0x9e: {  	[timem:s8], [sflag:s22] =	dma.local [hbm:s6], s20  }
0x9f: {  	_ =	swait.ge [sflag:s22], s20  }
0xa0: {  	s5 =	ssub.s32 $0x0, s20;
	[sflag:s22] =	ssyncset.done $0x0  }
0xa1: {  	[sflag:s22] =	ssyncadd.s32 s5;
	_ =	sdelay $0x1  }
0xa2: {  	s23 =	simm.s32 $0x1B8B  }
0xa3: {  	_ =	swait.ge [sflag:s23], $0x1  }
0xa4: {  	[sflag:s23] =	ssyncset.done $0x0  }
0xa5: {  	s25 =	simm.s32 $0x1B8E;
	s24 =	sld [smem:$0x3FFE];
	[sflag:s23] =	ssyncadd.s32 $0xFFFFFFFF  }
0xa6: {  	s26 =	simm.s32 $execute0_lowered;
	[smem:$0x3FD2] =	sst s25  }
0xa7: {  	s6 =	sshll.u32 s26, $0x1;
	_ =	strace $0x80000046;
	[dreg:$0x1] =	wrdreg $0xFFFFFFFF  }
0xa8: {  	s28 =	simm.s32 $_size_execute0_lowered;
	s4 =	sadd.s32 s4, s6;
	[dreg:$0x0] =	wrdreg $0x0  }
0xa9: {  	s6 =	sshll.u32 s28, $0x1;
	[dreg:$0x2] =	wrdreg s4  }
0xaa: {  	[dreg:$0x3] =	wrdreg s6  }
0xab: {  	[dreg:$0x4] =	wrdreg $0xC0  }
0xac: {  	_ =	task [dreg:s8], $0x5FFFF  }
0xad: {  	[dreg:$0x1] =	wrdreg $0xFFFFFFFF  }
0xae: {  	[dreg:$0x0] =	wrdreg $0x60  }
0xaf: {  	[dreg:$0x2] =	wrdreg s24  }
0xb0: {  	[dreg:$0x3] =	wrdreg s18  }
0xb1: {  	[dreg:$0x4] =	wrdreg s2  }
0xb2: {  	[dreg:$0x5] =	wrdreg $0x0  }
0xb3: {  	[dreg:$0x6] =	wrdreg $0x9  }
0xb4: {  	_ =	task.clear_ibuf [dreg:s8], $0x7FFFF;
	_ =	strace $0x90000046  }
0xb5: {  	s29 =	simm.s32 $0x9;
	_ =	strace $0x80000048  }
0xb6: {  	_ =	swait.ge [sflag:s29], $0x1  }
0xb7: {  	[sflag:s29] =	ssyncadd.s32 $0xFFFFFFFF  }
0xb8: {  	_ =	strace $0x90000048  }
0xb9: {  	_ =	sfence  }
0xba: {  	s30 =	sld [smem:$0x0];
	_ =	sdelay $0x2  }
0xbb: {  	s31 =	sshll.u32 s1, $0xD;
	s1 =	sshrl.u32 s1, $0x2  }
0xbc: {  	s3 =	sand.u32 $0x4000, s31;
	s1 =	sadd.s32 s1, s30  }
0xbd: {  	s0 =	sor.u32 s3, s0;
	s1 =	sshll.u32 s1, $0x11  }
0xbe: {  	s0 =	sor.u32 s1, s0  }
0xbf: {  	s0 =	sadd.s32 $0x8F2B, s0  }
0xc0: {  	[sflag:s0] =	ssyncadd.remote.s32 $0x1  }
0xc1: {  	_ =	sfence.sel $0xFFFF  }
0xc2: {  	[dreg:$0x0] =	wrdreg $0xFFFFFFFF;
	(pc) =	sbr.abs _section_cstart, $3  }
0xc3: {  	[dreg:$0x1] =	wrdreg $0xFFFFFFFF  }
0xc4: {  	_ =	task.clear_ibuf [dreg:s8], $0x2FFFF;
	_ =	strace $0x9FFFFFFF  }
0xc5: {  	(tm) =	ssettm $0x7FFFFFFF  }
tec
execute0_lowered:
.L_overlay_start_1:
0x0: {  	(tag) =	ssettag $0x1  }
0x1: {  	s6 =	rddreg [dreg:$0x0]  }
0x2: {  	s8 =	rddreg [dreg:$0x1]  }
0x3: {  	s2 =	rddreg [dreg:$0x2]  }
0x4: {  	s0 =	srdreg.scid;
	s3 =	rddreg [dreg:$0x3];
	s4 =	simm.s32 $0x0  }
0x5: {  	s14 =	simm.s32 $0x15400;
	s15 =	simm.s32 $0x3;
	s16 =	simm.s32 $0x80  }
0x6: {  	s17 =	simm.s32 $0x16800;
	s18 =	simm.s32 $0x1A800;
	s19 =	simm.s32 $0x1  }
0x7: {  	s20 =	simm.s32 $0x2;
	s5 =	sand.u32 $0x1, s0;
	s0 =	stileid.u32  }
0x8: {  	s22 =	simm.s32 $0x0;
	[smem:$0x7FF] =	sst s4;
	s7 =	smul.u32 $0x140000, s5  }
0x9: {  	s1 =	sshll.u32 s5, $0x4;
	s10 =	smul.u32 $0x14000, s0;
	s29 =	ssub.s32 $0x2, s5  }
0xa: {  	s12 =	smul.u32 $0x50000, s0;
	s5 =	sadd.s32 $0x5200, s6;
	s1 =	sor.u32 s0, s1  }
0xb: {  	s21 =	sshll.u32 s0, $0x6;
	s30 =	sshrl.u32 s29, $0x1;
	s9 =	smul.u32 $0x280, s1  }
0xc: {  	s1 =	rddreg [dreg:$0x4];
	_ =	strace $0x80000047;
	s7 =	sadd.s32 s10, s7  }
0xd: {  	s10 =	ssub.s32 s29, s30;
	s31 =	sshrl.u32 s12, $0x2;
	s7 =	sshrl.u32 s7, $0x3  }
0xe: {  	s12 =	sadd.s32 s31, s3;
	s10 =	smax.u32 s10, $0x1;
	s11 =	sadd.s32 s9, s6  }
0xf: {  	s13 =	sadd.s32 s7, s6;
	s6 =	sor.u32 $0x1C03, s21;
	s8 =	sadd.s32 s8, s9  }
0x10: {  	s21 =	sor.u32 $0x1C04, s21;
	s7 =	sadd.s32 $0x200, s11;
	s9 =	sadd.s32 $0x7A00, s13  }
0x11: {  	s11 =	sshrl.u32 s12, $0x3;
	s12 =	simm.s32 $0x14000;
	s13 =	simm.s32 $0x4  }
.LBB2_1:
0x12: {  	[spmem:s11], [sflag:s6] =	dma.local [hbm:s5], $0x2800  }
0x13: {  	[tilespmem:s12], [sflag:$0x4] =	stream.linear.gather [hbm4b:s7+s4], $0x1400, $0x38;
	[tilespmem:$0x1E800] =	vst v63  }
0x14: {  	_ =	swait.ge [sflag:s13], $0x1400  }
0x15: {  	[sflag:s13] =	ssyncset.done $0x0  }
0x16: {  	[sflag:s13] =	ssyncadd.s32 $0xFFFFEC00  }
0x17: {  	[tilespmem:s14], [sflag:$0x4] =	stream.linear.gather [hbm4b:s8+s4], $0x1400, $0x38;
	[tilespmem:$0x1E800] =	vst v63  }
0x18: {  	_ =	swait.ge [sflag:s13], $0x1400  }
0x19: {  	[sflag:s13] =	ssyncset.done $0x0  }
0x1a: {  	[sflag:s13] =	ssyncadd.s32 $0xFFFFEC00  }
0x1b: {  	_ =	swait.ge [sflag:s15], $0x2800  }
0x1c: {  	[sflag:s15] =	ssyncset.done $0x0  }
0x1d: {  	[sflag:s15] =	ssyncadd.s32 $0xFFFFD800  }
0x1e: {  	s23 =	simm.s32 $0x14000;
	[bflag:$0x0] =	sbarrier.arrive $0xFFFF  }
0x1f: {  	[tilespmem:s17], [sflag:$0x1] =	stream.indirect.gather [hbm4b:s2+s16], $0x80, s23, s16, $0xb8;
	[tilespmem:$0x1E800] =	vst v63  }
0x20: {  	s29 =	simm.s32 $0x14080  }
0x21: {  	[tilespmem:s18], [sflag:$0x2] =	stream.indirect.gather [hbm4b:s2+s16], $0x80, s29, s16, $0xb8;
	[tilespmem:$0x1E800] =	vst v63  }
0x22: {  	_ =	swait.ge [sflag:s19], $0x4000  }
0x23: {  	[sflag:s19] =	ssyncset.done $0x0  }
0x24: {  	[sflag:s19] =	ssyncadd.s32 $0xFFFFC000  }
0x25: {  	_ =	swait.ge [sflag:s20], $0x4000  }
0x26: {  	[sflag:s20] =	ssyncset.done $0x0  }
0x27: {  	s30 =	simm.s32 $0x15400;
	[sflag:s20] =	ssyncadd.s32 $0xFFFFC000  }
0x28: {  	[spmem:s3] =	stream.indirect.scatter.add.f32 [tilespmem:s17], [sflag:$0x4], $0x80, s30, s16, $0xb8;
	[tilespmem:$0x1E800] =	vst v63  }
0x29: {  	_ =	swait.ge [sflag:s13], $0x4000  }
0x2a: {  	[sflag:s13] =	ssyncset.done $0x0  }
0x2b: {  	s31 =	simm.s32 $0x15480;
	[sflag:s13] =	ssyncadd.s32 $0xFFFFC000  }
0x2c: {  	[spmem:s3] =	stream.indirect.scatter.add.f32 [tilespmem:s18], [sflag:$0x4], $0x80, s31, s16, $0xb8;
	[tilespmem:$0x1E800] =	vst v63  }
0x2d: {  	_ =	swait.ge [sflag:s13], $0x4000  }
0x2e: {  	s24 =	simm.s32 $0x800;
	s23 =	simm.s32 $0x100;
	[sflag:s13] =	ssyncset.done $0x0  }
.LBB2_2:
0x2f: {  	s25 =	sadd.s32 $0x14000, s23  }
0x30: {  	[sflag:s13] =	ssyncadd.s32 $0xFFFFC000;
	s26 =	smov.u32 s24;
	s28 =	sadd.s32 $0x400, s24  }
0x31: {  	[tilespmem:s17], [sflag:$0x1] =	stream.indirect.gather [hbm4b:s2+s16], $0x80, s25, s16, $0xb8;
	[tilespmem:$0x1E800] =	vst v63  }
0x32: {  	p0 =	sne.s32 s24, $0x4C00;
	s24 =	sadd.s32 $0x14080, s23  }
0x33: {  	[tilespmem:s18], [sflag:$0x2] =	stream.indirect.gather [hbm4b:s2+s16], $0x80, s24, s16, $0xb8;
	[tilespmem:$0x1E800] =	vst v63  }
0x34: {  	_ =	swait.ge [sflag:s19], $0x4000  }
0x35: {  	[sflag:s19] =	ssyncset.done $0x0  }
0x36: {  	[sflag:s19] =	ssyncadd.s32 $0xFFFFC000  }
0x37: {  	_ =	swait.ge [sflag:s20], $0x4000  }
0x38: {  	[sflag:s20] =	ssyncset.done $0x0  }
0x39: {  	s24 =	sadd.s32 $0x15400, s23;
	[sflag:s20] =	ssyncadd.s32 $0xFFFFC000  }
0x3a: {  	[spmem:s3] =	stream.indirect.scatter.add.f32 [tilespmem:s17], [sflag:$0x4], $0x80, s24, s16, $0xb8;
	[tilespmem:$0x1E800] =	vst v63  }
0x3b: {  	_ =	swait.ge [sflag:s13], $0x4000  }
.Ltmp0:
0x3c: {  	[sflag:s13] =	ssyncset.done $0x0;
	(pc) =	sbr.rel @p0 .LBB2_2-.Ltmp0, $4  }
0x3d: {  	s23 =	sadd.s32 $0x15480, s23;
	[sflag:s13] =	ssyncadd.s32 $0xFFFFC000  }
0x3e: {  	[spmem:s3] =	stream.indirect.scatter.add.f32 [tilespmem:s18], [sflag:$0x4], $0x80, s23, s16, $0xb8;
	[tilespmem:$0x1E800] =	vst v63  }
0x3f: {  	_ =	swait.ge [sflag:s13], $0x4000  }
0x40: {  	s24 =	smov.u32 s28;
	s23 =	sshra.s32 s26, $0x2;
	[sflag:s13] =	ssyncset.done $0x0  }
0x41: {  	s24 =	sadd.s32 $0x14000, s23;
	[sflag:s13] =	ssyncadd.s32 $0xFFFFC000  }
0x42: {  	[tilespmem:s17], [sflag:$0x1] =	stream.indirect.gather [hbm4b:s2+s16], $0x80, s24, s16, $0xb8;
	[tilespmem:$0x1E800] =	vst v63  }
0x43: {  	s29 =	sadd.s32 $0x14080, s23  }
0x44: {  	[tilespmem:s18], [sflag:$0x2] =	stream.indirect.gather [hbm4b:s2+s16], $0x80, s29, s16, $0xb8;
	[tilespmem:$0x1E800] =	vst v63  }
0x45: {  	_ =	swait.ge [sflag:s19], $0x4000  }
0x46: {  	[sflag:s19] =	ssyncset.done $0x0  }
0x47: {  	[sflag:s19] =	ssyncadd.s32 $0xFFFFC000  }
0x48: {  	_ =	swait.ge [sflag:s20], $0x4000  }
0x49: {  	[sflag:s20] =	ssyncset.done $0x0  }
0x4a: {  	s30 =	sadd.s32 $0x15400, s23;
	[sflag:s20] =	ssyncadd.s32 $0xFFFFC000  }
0x4b: {  	[spmem:s3] =	stream.indirect.scatter.add.f32 [tilespmem:s17], [sflag:$0x4], $0x80, s30, s16, $0xb8;
	[tilespmem:$0x1E800] =	vst v63  }
0x4c: {  	_ =	swait.ge [sflag:s13], $0x4000  }
0x4d: {  	[sflag:s13] =	ssyncset.done $0x0  }
0x4e: {  	s31 =	sadd.s32 $0x15480, s23;
	[sflag:s13] =	ssyncadd.s32 $0xFFFFC000  }
0x4f: {  	[spmem:s3] =	stream.indirect.scatter.add.f32 [tilespmem:s18], [sflag:$0x4], $0x80, s31, s16, $0xb8;
	[tilespmem:$0x1E800] =	vst v63  }
0x50: {  	_ =	swait.ge [sflag:s13], $0x4000  }
0x51: {  	s22 =	sadd.s32 $0x1, s22;
	[sflag:s13] =	ssyncset.done $0x0  }
0x52: {  	p0 =	sne.s32 s22, s10;
	[sflag:s13] =	ssyncadd.s32 $0xFFFFC000  }
.Ltmp1:
0x53: {  	[bflag:$0x0] =	sbarrier.arrive $0xFFFF;
	(pc) =	sbr.rel @p0 .LBB2_1-.Ltmp1, $4  }
0x54: {  	[hbm:s9], [sflag:s21] =	dma.local [spmem:s11], $0x2800  }
0x55: {  	_ =	swait.ge [sflag:s13], $0x2800  }
0x56: {  	[sflag:s13] =	ssyncset.done $0x0  }
0x57: {  	[sflag:s13] =	ssyncadd.s32 $0xFFFFD800  }
0x58: {  	_ =	sfence.sel $0x180000  }
0x59: {  	[bflag:$0x0] =	sbarrier.arrive $0xFFFF  }
0x5a: {  	p0 =	sne.s32 s0, $0x0;
	_ =	strace $0x90000047  }
0x5b: {  	s0 =	sadd.s32 @!p0 $0x100000, s1;
	[bflag:$0x2] =	sbarrier.arrive $0xFFFF  }
0x5c: {  	[sflag:s0] =	ssyncadd.tile.s32 @!p0 $0x1;
	_ =	shalt  }
.Lfunc_end2:
_tile_overlayer_lowered:
.L_overlay_start_2:
0x5d: {  	(tag) =	ssettag $0x2  }
0x5e: {  	s0 =	rddreg [dreg:$0x0];
	s2 =	stileid.u32  }
0x5f: {  	s1 =	rddreg [dreg:$0x1];
	p0 =	sne.s32 s2, $0x0  }
0x60: {  	s3 =	rddreg [dreg:$0x2];
	[bflag:$0x3] =	sbarrier.arrive $0xFFFF;
	s2 =	simm.s32 @!p0 $0x1C04  }
0x61: {  	[timem:s3], [sflag:s2] =	dma.local @!p0 [hbm:s0], s1  }
0x62: {  	s0 =	simm.s32 @!p0 $0x4  }
0x63: {  	_ =	swait.ge @!p0 [sflag:s0], s1  }
0x64: {  	s1 =	ssub.s32 @!p0 $0x0, s1;
	[sflag:s0] =	ssyncset.done @!p0 $0x0  }
0x65: {  	[sflag:s0] =	ssyncadd.s32 @!p0 s1  }
0x66: {  	[bflag:$0x3] =	sbarrier.arrive $0xFFFF  }
0x67: {  	_ =	shalt  }

</sc_bundles>
